<compile_context>
chip_gen: v7x
topology: tpu7x:2x2x1
jax: 0.10.2.dev20260603
libtpu: 0.0.44.dev20260713+nightly
codegen_flags: <defaults>
</compile_context>

<pallas_src>
import functools

import jax
import jax.numpy as jnp
from jax import lax
from jax.experimental import pallas as pl
from jax.experimental.pallas import tpu as pltpu
from jax.experimental.pallas import tpu_sc as plsc

H, W, NPOS = 512, 512, 64
OUT_LEN = 65536
SC_LEN = OUT_LEN * 16


def _sc_body(hpos_hbm, out_hbm, out_v, shared_v, sem):
    cid = lax.axis_index("c")
    sid = lax.axis_index("s")
    out_v[pl.ds(0, 16)] = lax.iota(jnp.int32, 16).astype(jnp.float32)
    pltpu.sync_copy(out_v, shared_v.at[pl.ds(sid * OUT_LEN, OUT_LEN)])
    plsc.subcore_barrier()
    @pl.when(sid == 0)
    def _():
        pltpu.sync_copy(shared_v, out_hbm.at[pl.ds(cid * SC_LEN, SC_LEN)])


@functools.cache
def _build_sc_kernel():
    return pl.kernel(
        _sc_body,
        out_type=jax.ShapeDtypeStruct((H * 8 * W,), jnp.float32),
        mesh=plsc.VectorSubcoreMesh(core_axis_name="c", subcore_axis_name="s",
                                    num_cores=2, num_subcores=16),
        scratch_types=[
            pltpu.VMEM((OUT_LEN,), jnp.float32),
            pltpu.VMEM_SHARED((SC_LEN,), jnp.float32),
            pltpu.SemaphoreType.DMA,
        ],
        compiler_params=pltpu.CompilerParams(needs_layout_passes=False),
    )


def kernel(normalized_image, h_probs, v_probs, h_binary, v_binary,
           h_positions, v_positions):
    out = _build_sc_kernel()(h_positions.astype(jnp.int32).reshape(NPOS))
    return out.reshape(1, H, W, 8)

# --- scband reference (transcript-rebuilt; emitter-appended) ---
"""Pipeline reference for scband-concat-inputs-layer-51084341019255 (READ-ONLY COPY).

The authoritative reference and input builder live on the scoring server;
editing this copy changes nothing except your own understanding.
"""

import jax, jax.numpy as jnp
import numpy as np


def setup_inputs(seed: int = 0) -> dict:
    key = jax.random.key(seed)
    k1, k2, k3, k4, k5, k6, k7 = jax.random.split(key, 7)
    H, W = 512, 512
    return {
        "normalized_image": jax.random.normal(k1, (1, H, W, 3), dtype=jnp.float32),
        "h_probs": jax.random.uniform(k2, (1, H), dtype=jnp.float32),
        "v_probs": jax.random.uniform(k3, (1, W), dtype=jnp.float32),
        "h_binary": jax.random.uniform(k4, (1, H), dtype=jnp.float32),
        "v_binary": jax.random.uniform(k5, (1, W), dtype=jnp.float32),
        "h_positions": jax.random.randint(k6, (64, 1), 0, H, dtype=jnp.int64 if jax.config.jax_enable_x64 else jnp.int32),
        "v_positions": jax.random.randint(k7, (64, 1), 0, W, dtype=jnp.int64 if jax.config.jax_enable_x64 else jnp.int32),
    }


def _broadcast_horz_mask(mask, height, width):
    # mask: (1, H) -> (1, H, W, 1)
    return jnp.broadcast_to(mask[:, :, None, None], (1, height, width, 1))


def _broadcast_vert_mask(mask, height, width):
    # mask: (1, W) -> (1, H, W, 1)
    return jnp.broadcast_to(mask[:, None, :, None], (1, height, width, 1))


def _draw_horz_lines(image, positions):
    # image: (R, C); positions: (N, 1) row indices -> set those rows to 1.0
    rows = positions[:, 0]
    updates = jnp.ones((positions.shape[0], image.shape[1]), dtype=image.dtype)
    return image.at[rows].set(updates)


def _create_grid_image(h_positions, v_positions, height, width):
    result = jnp.zeros((height, width), dtype=jnp.float32)
    result = _draw_horz_lines(result, h_positions)
    result = jnp.transpose(result)
    result = _draw_horz_lines(result, v_positions)
    return jnp.transpose(result)


def reference(normalized_image, h_probs, v_probs, h_binary, v_binary, h_positions, v_positions):
    height = normalized_image.shape[1]
    width = normalized_image.shape[2]
    broadcasted_h_probs = _broadcast_horz_mask(h_probs, height, width)
    broadcasted_v_probs = _broadcast_vert_mask(v_probs, height, width)
    broadcasted_h_binary = _broadcast_horz_mask(h_binary, height, width)
    broadcasted_v_binary = _broadcast_vert_mask(v_binary, height, width)
    grid_image = _create_grid_image(h_positions, v_positions, height, width)
    grid_image = grid_image[None, :, :, None]
    return jnp.concatenate([
        normalized_image,
        broadcasted_h_probs,
        broadcasted_v_probs,
        broadcasted_h_binary.astype(jnp.float32),
        broadcasted_v_binary.astype(jnp.float32),
        grid_image,
    ], axis=3)

if __name__ == "__main__":
    import jax
    _d = setup_inputs()
    print(jax.jit(kernel)(*tuple(_d.values())))

</pallas_src>

<mosaic_0001>
#map = affine_map<(d0, d1) -> (0)>
module attributes {stable_mosaic.version = 14 : i64} {
  func.func @_sc_body(%arg0: i32, %arg1: i32, %arg2: memref<64xi32, #tpu.memory_space<hbm>>, %arg3: memref<2097152xf32, #tpu.memory_space<hbm>>, %arg4: memref<65536xf32, #tpu.memory_space<vmem>>, %arg5: memref<1048576xf32, #tpu.memory_space<vmem_shared>>, %arg6: memref<!tpu.dma_semaphore, #tpu.memory_space<semaphore_mem>>) attributes {dimension_semantics = [#tpu.dimension_semantics<core_parallel>, #tpu.dimension_semantics<subcore_parallel>], iteration_bounds = array<i64: 2, 16>, scalar_prefetch = 0 : i64, scratch_operands = 3 : i64, tpu.core_type = #tpu.core_type<sc_vector_subcore>, window_params = [{transform_indices = #map}, {transform_indices = #map}]} {
    %iota3A = tpu.iota {dimensions = array<i32: 0>} : vector<16xi32>
    %convert_element_type3A = arith.sitofp %iota3A : vector<16xi32> to vector<16xf32>
    %swap3A = arith.constant 0 : index
    %swap3A_0 = tpu.vector_load %arg4[%swap3A] {strides = array<i32>} : memref<65536xf32, #tpu.memory_space<vmem>>, vector<16xf32>,
    tpu.vector_store %arg4[%swap3A], %convert_element_type3A {strides = array<i32>} : memref<65536xf32, #tpu.memory_space<vmem>>, vector<16xf32>,
    %mul3A = arith.constant 65536 : i32
    %mul3A_1 = arith.muli %arg1, %mul3A : i32
    "tpu.region"() ({
      %run_scoped3A = tpu.sem_alloc : memref<!tpu.dma_semaphore, #tpu.memory_space<semaphore_mem>>
      %dma_start3A = tpu.memref_slice %arg5[%mul3A_1] : memref<1048576xf32, #tpu.memory_space<vmem_shared>> -> memref<65536xf32, #tpu.memory_space<vmem_shared>>
      %dma_start3A_5 = tpu.memref_slice %arg5[%mul3A_1] : memref<1048576xf32, #tpu.memory_space<vmem_shared>> -> memref<65536xf32, #tpu.memory_space<vmem_shared>>
      tpu.enqueue_dma source(%arg4 : memref<65536xf32, #tpu.memory_space<vmem>>) target(%dma_start3A_5 : memref<65536xf32, #tpu.memory_space<vmem_shared>>) target_semaphore(%run_scoped3A : memref<!tpu.dma_semaphore, #tpu.memory_space<semaphore_mem>>)
      %dma_wait3A = tpu.memref_slice %arg5[%mul3A_1] : memref<1048576xf32, #tpu.memory_space<vmem_shared>> -> memref<65536xf32, #tpu.memory_space<vmem_shared>>
      %dma_wait3A_6 = tpu.memref_slice %arg5[%mul3A_1] : memref<1048576xf32, #tpu.memory_space<vmem_shared>> -> memref<65536xf32, #tpu.memory_space<vmem_shared>>
      tpu.wait_dma2 semaphore(%run_scoped3A : memref<!tpu.dma_semaphore, #tpu.memory_space<semaphore_mem>>) src(%arg4 : memref<65536xf32, #tpu.memory_space<vmem>>) dst(%dma_wait3A_6 : memref<65536xf32, #tpu.memory_space<vmem_shared>>)
      tpu.yield
    }) : () -> ()
    %barrier3A = arith.constant 0 : index
    tpu.barrier barrier_id(%barrier3A)
    %eq3A = arith.constant 0 : i32
    %eq3A_2 = arith.cmpi eq, %arg1, %eq3A : i32
    %convert_element_type3A_3 = arith.extui %eq3A_2 : i1 to i32
    %cond3A = arith.constant 0 : i32
    %cond3A_4 = arith.cmpi ne, %convert_element_type3A_3, %cond3A : i32
    scf.if %cond3A_4 {
      %mul3A_5 = arith.constant 1048576 : i32
      %mul3A_6 = arith.muli %arg0, %mul3A_5 : i32
      "tpu.region"() ({
        %run_scoped3A = tpu.sem_alloc : memref<!tpu.dma_semaphore, #tpu.memory_space<semaphore_mem>>
        %dma_start3A = tpu.memref_slice %arg3[%mul3A_6] : memref<2097152xf32, #tpu.memory_space<hbm>> -> memref<1048576xf32, #tpu.memory_space<hbm>>
        tpu.enqueue_dma source(%arg5 : memref<1048576xf32, #tpu.memory_space<vmem_shared>>) target(%dma_start3A : memref<1048576xf32, #tpu.memory_space<hbm>>) target_semaphore(%run_scoped3A : memref<!tpu.dma_semaphore, #tpu.memory_space<semaphore_mem>>)
        %dma_wait3A = tpu.memref_slice %arg3[%mul3A_6] : memref<2097152xf32, #tpu.memory_space<hbm>> -> memref<1048576xf32, #tpu.memory_space<hbm>>
        tpu.wait_dma2 semaphore(%run_scoped3A : memref<!tpu.dma_semaphore, #tpu.memory_space<semaphore_mem>>) src(%arg5 : memref<1048576xf32, #tpu.memory_space<vmem_shared>>) dst(%dma_wait3A : memref<1048576xf32, #tpu.memory_space<hbm>>)
        tpu.yield
      }) : () -> ()
    } else {
    }
    return
  }
}

</mosaic_0001>

<sc_bundles>
// kernel: kernel.3.cloned.1.call-start
scs
__scs_entry_jumppad:
0x0: {  	(pc) =	sbr.rel $0x88, $3  }
0x1: {  	(tag) =	ssettag $0x0;
	lr =	simm.s32 $0x1  }
0x2: {  	[smem:$0x3FA0] =	sst lr;
	_ =	strace $0xD0000000  }
0x3: {  	_ = 	snop  }
0x4: {  	_ = 	snop  }
0x5: {  	_ = 	snop  }
0x6: {  	_ = 	snop  }
0x7: {  	_ = 	snop  }
__scs_overlays_trampoline_lowered:
0x8: {  	[smem:$0x3FAF] =	sst s0  }
0x9: {  	[smem:$0x3FB0] =	sst s1  }
0xa: {  	[smem:$0x3FB1] =	sst s2  }
0xb: {  	[smem:$0x3FB2] =	sst s3  }
0xc: {  	[smem:$0x3FB3] =	sst s4  }
0xd: {  	[smem:$0x3FB4] =	sst s5  }
0xe: {  	[smem:$0x3FB5] =	sst s6  }
0xf: {  	[smem:$0x3FB6] =	sst s7  }
0x10: {  	[smem:$0x3FB7] =	sst s8  }
0x11: {  	[smem:$0x3FB8] =	sst s9;
	s0 =	simm.s32 @!p0 $0x0  }
0x12: {  	s1 =	sld [smem:$0x3F9E];
	s0 =	simm.s32 @p0 $0x1  }
0x13: {  	[smem:$0x3FB9] =	sst s0;
	s0 =	simm.s32 @!p1 $0x0  }
0x14: {  	s2 =	sld [smem:$0x3F9D];
	s0 =	simm.s32 @p1 $0x1  }
0x15: {  	[smem:$0x3FBA] =	sst s0;
	s0 =	simm.s32 @!p2 $0x0  }
0x16: {  	s3 =	sld [smem:$0x3FDB];
	s0 =	simm.s32 @p2 $0x1  }
0x17: {  	s4 =	simm.s32 $0x1BF5;
	[smem:$0x3FBC] =	sst s0  }
0x18: {  	s0 =	sld [smem:$0x3F9F];
	_ =	swait.ge [sflag:s4], $0x0  }
0x19: {  	s7 =	sld [smem:$0x3FA0]  }
0x1a: {  	s8 =	sadd.s32 $0xFFFFE003, lr  }
0x1b: {  	s9 =	sadd.s32 $0xFFFFFEF7, lr;
	s5 =	simm.s32 $0xFFFFFFFF;
	p2 =	slt.u32 s8, $0xFFFFF086  }
0x1c: {  	p1 =	slt.u32 s9, $0xF7A;
	s5 =	simm.s32 @!p2 $0x0  }
0x1d: {  	s5 =	simm.s32 @p1 $0x1;
	p0 =	seq.s32 s7, s2  }
0x1e: {  	s7 =	smul.u32 @!p0 $0xF7A, s2;
	p2 =	seq.s32 @!p0 s5, $0x0  }
0x1f: {  	s9 =	smul.u32 $0xF7A, s1;
	s8 =	simm.s32 @!p0 $0x1BF5;
	p2 =	por !p2, p0  }
0x20: {  	[sflag:s8] =	ssyncset.s32 @!p0 $0xFFFFF086;
	s6 =	sadd.s32 @!p0 s3, s7;
	s7 =	simm.s32 @!p0 $0x108  }
0x21: {  	s3 =	sadd.s32 s3, s9;
	s6 =	sadd.s32 @!p0 $0x88, s6;
	s7 =	simm.s32 @p2 $0x1082  }
0x22: {  	[simem:s7], [sflag:s8] =	dma.local @!p0 [hbm:s6], $0xF7A  }
0x23: {  	s9 =	sor.u32 $0xD0000000, s2;
	s6 =	simm.s32 $0x108;
	_ =	swait.ge @!p0 [sflag:s8], $0x0  }
0x24: {  	s3 =	sadd.s32 $0x88, s3;
	s6 =	simm.s32 @!p1 $0x1082;
	[sflag:s4] =	ssyncset.s32 $0xFFFFF086  }
0x25: {  	[simem:s6], [sflag:s4] =	dma.local [hbm:s3], $0xF7A  }
0x26: {  	[smem:$0x3FA0] =	sst s1;
	(tag) =	ssettag s2;
	_ =	strace s9  }
0x27: {  	s1 =	sld [smem:$0x3FB0]  }
0x28: {  	s2 =	sld [smem:$0x3FB1]  }
0x29: {  	s4 =	sld [smem:$0x3FB3]  }
0x2a: {  	p0 =	seq.s32 s5, $0x0;
	s5 =	sld [smem:$0x3FB4]  }
0x2b: {  	s6 =	sld [smem:$0x3FB5]  }
0x2c: {  	s7 =	sld [smem:$0x3FB6]  }
0x2d: {  	s3 =	simm.s32 $0x108;
	s8 =	sld [smem:$0x3FB7]  }
0x2e: {  	s3 =	simm.s32 @!p0 $0x1082;
	s9 =	sld [smem:$0x3FB8]  }
0x2f: {  	lr =	sadd.s32 s0, s3;
	s0 =	sld [smem:$0x3FAF]  }
0x30: {  	s3 =	sld [smem:$0x3FB2]  }
0x31: {  	[smem:$0x3FBB] =	sst s10  }
0x32: {  	s10 =	sld [smem:$0x3FB9];
	_ =	sdelay $0x3  }
0x33: {  	p0 =	seq.s32 s10, $0x1;
	s10 =	sld [smem:$0x3FBB];
	_ =	sdelay $0x3  }
0x34: {  	[smem:$0x3FBB] =	sst s10  }
0x35: {  	s10 =	sld [smem:$0x3FBA];
	_ =	sdelay $0x3  }
0x36: {  	p1 =	seq.s32 s10, $0x1;
	s10 =	sld [smem:$0x3FBB];
	_ =	sdelay $0x3  }
0x37: {  	[smem:$0x3FBB] =	sst s10  }
0x38: {  	s10 =	sld [smem:$0x3FBC]  }
0x39: {  	_ = 	snop;
	(pc) =	sbr.ind lr, $3  }
0x3a: {  	_ = 	snop  }
0x3b: {  	_ = 	snop  }
0x3c: {  	p2 =	seq.s32 s10, $0x1;
	s10 =	sld [smem:$0x3FBB]  }
0x3d: {  	_ =	shalt  }
0x3e: {  	_ =	shalt  }
0x3f: {  	_ =	shalt  }
0x40: {  	_ =	shalt  }
0x41: {  	_ =	shalt  }
0x42: {  	_ =	shalt  }
0x43: {  	_ =	shalt  }
0x44: {  	_ =	shalt  }
0x45: {  	_ =	shalt  }
0x46: {  	_ =	shalt  }
0x47: {  	_ =	shalt  }
0x48: {  	_ =	shalt  }
0x49: {  	_ =	shalt  }
0x4a: {  	_ =	shalt  }
0x4b: {  	_ =	shalt  }
0x4c: {  	_ =	shalt  }
0x4d: {  	_ =	shalt  }
0x4e: {  	_ =	shalt  }
0x4f: {  	_ =	shalt  }
0x50: {  	_ =	shalt  }
0x51: {  	_ =	shalt  }
0x52: {  	_ =	shalt  }
0x53: {  	_ =	shalt  }
0x54: {  	_ =	shalt  }
0x55: {  	_ =	shalt  }
0x56: {  	_ =	shalt  }
0x57: {  	_ =	shalt  }
0x58: {  	_ =	shalt  }
0x59: {  	_ =	shalt  }
0x5a: {  	_ =	shalt  }
0x5b: {  	_ =	shalt  }
0x5c: {  	_ =	shalt  }
0x5d: {  	_ =	shalt  }
0x5e: {  	_ =	shalt  }
0x5f: {  	_ =	shalt  }
0x60: {  	_ =	shalt  }
0x61: {  	_ =	shalt  }
0x62: {  	_ =	shalt  }
0x63: {  	_ =	shalt  }
0x64: {  	_ =	shalt  }
0x65: {  	_ =	shalt  }
0x66: {  	_ =	shalt  }
0x67: {  	_ =	shalt  }
0x68: {  	_ =	shalt  }
0x69: {  	_ =	shalt  }
0x6a: {  	_ =	shalt  }
0x6b: {  	_ =	shalt  }
0x6c: {  	_ =	shalt  }
0x6d: {  	_ =	shalt  }
0x6e: {  	_ =	shalt  }
0x6f: {  	_ =	shalt  }
0x70: {  	_ =	shalt  }
0x71: {  	_ =	shalt  }
0x72: {  	_ =	shalt  }
0x73: {  	_ =	shalt  }
0x74: {  	_ =	shalt  }
0x75: {  	_ =	shalt  }
0x76: {  	_ =	shalt  }
0x77: {  	_ =	shalt  }
0x78: {  	_ =	shalt  }
0x79: {  	_ =	shalt  }
0x7a: {  	_ =	shalt  }
0x7b: {  	_ =	shalt  }
0x7c: {  	_ =	shalt  }
0x7d: {  	_ =	shalt  }
0x7e: {  	_ =	shalt  }
0x7f: {  	_ =	shalt  }
0x80: {  	_ =	shalt  }
0x81: {  	_ =	shalt  }
0x82: {  	_ =	shalt  }
0x83: {  	_ =	shalt  }
0x84: {  	_ =	shalt  }
0x85: {  	_ =	shalt  }
0x86: {  	_ =	shalt  }
0x87: {  	_ =	shalt  }
.Lfunc_end0:
.L_simem_size_0:
called_computation_lowered:
.L_overlay_start_0:
0x88: {  	s2 =	sld [smem:$0x3FD9]  }
0x89: {  	s3 =	sld [smem:$0x3FFE];
	_ =	sdelay $0x1  }
0x8a: {  	s1 =	srdreg.scid  }
0x8b: {  	s0 =	sand.u32 $0x1, s1  }
0x8c: {  	s18 =	sshll.u32 s0, $0xA;
	s2 =	sadd.s32 s3, s2  }
0x8d: {  	s2 =	sadd.s32 s2, s18  }
0x8e: {  	[smem:$0x3FC7] =	sst s2  }
0x8f: {  	_ = 	snop  }
0x90: {  	s2 =	sld [smem:$0x3FD0];
	(tm) =	ssettm $0x1  }
0x91: {  	s19 =	sld [smem:$0x3FFB];
	_ =	sdelay $0x3  }
0x92: {  	_ =	strace s19  }
0x93: {  	s3 =	sld [smem:$0x3FFC];
	_ =	sdelay $0x3  }
0x94: {  	_ =	strace s3  }
0x95: {  	s3 =	sld [smem:$0x3FFD];
	_ =	sdelay $0x3  }
0x96: {  	_ =	strace s3  }
0x97: {  	_ =	strace $0x8FFFFFFF  }
0x98: {  	s20 =	sld [smem:$0x3FDB];
	_ =	sdelay $0x1  }
0x99: {  	s4 =	simm.s32 $_scs_section_size  }
0x9a: {  	s5 =	simm.s32 $_size__tile_overlayer_lowered;
	s6 =	simm.s32 $_tile_overlayer_lowered  }
0x9b: {  	s23 =	simm.s32 $0x1BFF;
	s22 =	sshll.u32 s6, $0x1;
	s3 =	sadd.s32 s4, s20  }
0x9c: {  	s7 =	simm.s32 $0x0;
	s21 =	sshll.u32 s5, $0x1;
	s5 =	sadd.s32 s22, s3  }
0x9d: {  	[timem:s7], [sflag:s23] =	dma.local [hbm:s5], s21  }
0x9e: {  	_ =	swait.ge [sflag:s23], s21  }
0x9f: {  	s4 =	ssub.s32 $0x0, s21;
	[sflag:s23] =	ssyncset.done $0x0  }
0xa0: {  	[sflag:s23] =	ssyncadd.s32 s4;
	_ =	sdelay $0x1  }
0xa1: {  	s24 =	simm.s32 $0x1B8B  }
0xa2: {  	_ =	swait.ge [sflag:s24], $0x1  }
0xa3: {  	[sflag:s24] =	ssyncset.done $0x0  }
0xa4: {  	s25 =	simm.s32 $0x1B8E;
	[sflag:s24] =	ssyncadd.s32 $0xFFFFFFFF  }
0xa5: {  	s26 =	simm.s32 $execute0_lowered;
	[smem:$0x3FD2] =	sst s25  }
0xa6: {  	s4 =	sshll.u32 s26, $0x1;
	_ =	strace $0x80000046;
	[dreg:$0x1] =	wrdreg $0xFFFFFFFF  }
0xa7: {  	s28 =	simm.s32 $_size_execute0_lowered;
	s3 =	sadd.s32 s3, s4;
	[dreg:$0x0] =	wrdreg $0x0  }
0xa8: {  	s4 =	sshll.u32 s28, $0x1;
	[dreg:$0x2] =	wrdreg s3  }
0xa9: {  	[dreg:$0x3] =	wrdreg s4  }
0xaa: {  	[dreg:$0x4] =	wrdreg $0xC0  }
0xab: {  	_ =	task [dreg:s7], $0x5FFFF  }
0xac: {  	[dreg:$0x1] =	wrdreg $0xFFFFFFFF  }
0xad: {  	[dreg:$0x0] =	wrdreg $0x60  }
0xae: {  	[dreg:$0x2] =	wrdreg s2  }
0xaf: {  	[dreg:$0x3] =	wrdreg $0x100000  }
0xb0: {  	[dreg:$0x4] =	wrdreg $0x9  }
0xb1: {  	_ =	task.clear_ibuf [dreg:s7], $0x5FFFF;
	_ =	strace $0x90000046  }
0xb2: {  	s29 =	simm.s32 $0x9;
	_ =	strace $0x80000048  }
0xb3: {  	_ =	swait.ge [sflag:s29], $0x1  }
0xb4: {  	[sflag:s29] =	ssyncadd.s32 $0xFFFFFFFF  }
0xb5: {  	_ =	strace $0x90000048  }
0xb6: {  	_ =	sfence  }
0xb7: {  	s30 =	sld [smem:$0x0];
	_ =	sdelay $0x2  }
0xb8: {  	s31 =	sshll.u32 s1, $0xD;
	s1 =	sshrl.u32 s1, $0x2  }
0xb9: {  	s3 =	sand.u32 $0x4000, s31;
	s1 =	sadd.s32 s1, s30  }
0xba: {  	s0 =	sor.u32 s3, s0;
	s1 =	sshll.u32 s1, $0x11  }
0xbb: {  	s0 =	sor.u32 s1, s0  }
0xbc: {  	s0 =	sadd.s32 $0x8F2B, s0  }
0xbd: {  	[sflag:s0] =	ssyncadd.remote.s32 $0x1  }
0xbe: {  	_ =	sfence.sel $0xFFFF  }
0xbf: {  	[dreg:$0x0] =	wrdreg $0xFFFFFFFF;
	(pc) =	sbr.abs _section_cstart, $3  }
0xc0: {  	[dreg:$0x1] =	wrdreg $0xFFFFFFFF  }
0xc1: {  	_ =	task.clear_ibuf [dreg:s7], $0x2FFFF;
	_ =	strace $0x9FFFFFFF  }
0xc2: {  	(tm) =	ssettm $0x7FFFFFFF  }
0xc3: {  	_ =	shalt  }
tec
execute0_lowered:
.L_overlay_start_1:
0x0: {  	(tag) =	ssettag $0x1  }
0x1: {  	v0 =	vimm.f32 $1.500000000e+01;
	vm0 =	vcmask $0x300  }
0x2: {  	vm14 =	vcmask $0x704;
	v0 =	vsel vm0, $0x0, v0  }
0x3: {  	vm15 =	vcmask $0xB08;
	v0 =	vsel vm14, $0x3F800000, v0  }
0x4: {  	vm4 =	vcmask $0xF0C;
	v0 =	vsel vm15, $0x40000000, v0  }
0x5: {  	vm5 =	vcmask $0x1310;
	v0 =	vsel vm4, $0x40400000, v0  }
0x6: {  	vm6 =	vcmask $0x1714;
	v0 =	vsel vm5, $0x40800000, v0  }
0x7: {  	vm7 =	vcmask $0x1B18;
	v0 =	vsel vm6, $0x40A00000, v0  }
0x8: {  	vm8 =	vcmask $0x1F1C;
	v0 =	vsel vm7, $0x40C00000, v0  }
0x9: {  	s3 =	rddreg [dreg:$0x0];
	vm9 =	vcmask $0x2320;
	v0 =	vsel vm8, $0x40E00000, v0  }
0xa: {  	s6 =	rddreg [dreg:$0x1];
	vm10 =	vcmask $0x2724;
	v0 =	vsel vm9, $0x41000000, v0  }
0xb: {  	s2 =	srdreg.scid;
	s0 =	rddreg [dreg:$0x2];
	s1 =	simm.s32 $0x0;
	vm11 =	vcmask $0x2B28;
	v0 =	vsel vm10, $0x41100000, v0  }
0xc: {  	vm12 =	vcmask $0x2F2C;
	s5 =	stileid.u32;
	s2 =	sand.u32 $0x1, s2;
	[smem:$0x7FF] =	sst s1;
	v0 =	vsel vm11, $0x41200000, v0  }
0xd: {  	vm13 =	vcmask $0x3330;
	s31 =	sshll.u32 s5, $0x10;
	p0 =	sne.s32 s5, $0x0;
	s4 =	ssub.s32 $0x2, s2;
	v0 =	vsel vm12, $0x41300000, v0  }
0xe: {  	s5 =	simm.s32 $0x1;
	_ =	strace $0x80000047;
	vm14 =	vcmask $0x3734;
	s7 =	sshrl.u32 s4, $0x1;
	v0 =	vsel vm13, $0x41400000, v0  }
0xf: {  	s8 =	sshll.u32 s2, $0x11;
	s2 =	sadd.s32 s31, s6;
	vm15 =	vcmask $0x3B38;
	s4 =	ssub.s32 s4, s7;
	v0 =	vsel vm14, $0x41500000, v0  }
0x10: {  	s6 =	sshrl.u32 @!p0 s6, $0x3;
	s3 =	sadd.s32 s3, s8;
	s4 =	smax.u32 s4, $0x1;
	v0 =	vsel vm15, $0x41600000, v0  }
.LBB2_1:
0x11: {  	[tilespmem:$0x0] =	vst v0  }
0x12: {  	[spmem:s2] =	stream.linear.scatter [tilespmem:s1], [sflag:$0x1], $0x10000, $0x38;
	v63 =	vld [tilespmem:$0x0]  }
0x13: {  	_ =	swait.ge [sflag:s5], $0x10000  }
0x14: {  	[sflag:s5] =	ssyncset.done $0x0  }
0x15: {  	s4 =	sadd.s32 $0xFFFFFFFF, s4;
	[sflag:s5] =	ssyncadd.s32 $0xFFFF0000  }
0x16: {  	s7 =	simm.s32 @!p0 $0x1C01;
	p1 =	sne.s32 s4, $0x0;
	[bflag:$0x0] =	sbarrier.arrive $0xFFFF  }
0x17: {  	[hbm:s3], [sflag:s7] =	dma.local @!p0 [spmem:s6], $0x20000  }
.Ltmp0:
0x18: {  	_ = 	snop;
	(pc) =	sbr.rel @p1 .LBB2_1-.Ltmp0, $4  }
0x19: {  	s7 =	simm.s32 @!p0 $0x1  }
0x1a: {  	_ =	swait.ge @!p0 [sflag:s7], $0x20000  }
0x1b: {  	[sflag:s7] =	ssyncset.done @!p0 $0x0  }
0x1c: {  	[sflag:s7] =	ssyncadd.s32 @!p0 $0xFFFE0000  }
0x1d: {  	_ =	sfence.sel $0x180000  }
0x1e: {  	[bflag:$0x0] =	sbarrier.arrive $0xFFFF  }
0x1f: {  	_ =	strace $0x90000047  }
0x20: {  	s0 =	sadd.s32 @!p0 $0x100000, s0;
	[bflag:$0x2] =	sbarrier.arrive $0xFFFF  }
0x21: {  	[sflag:s0] =	ssyncadd.tile.s32 @!p0 $0x1;
	_ =	shalt  }
.Lfunc_end2:
_tile_overlayer_lowered:
.L_overlay_start_2:
0x22: {  	(tag) =	ssettag $0x2  }
0x23: {  	s0 =	rddreg [dreg:$0x0];
	s2 =	stileid.u32  }
0x24: {  	s1 =	rddreg [dreg:$0x1];
	p0 =	sne.s32 s2, $0x0  }
0x25: {  	s3 =	rddreg [dreg:$0x2];
	[bflag:$0x3] =	sbarrier.arrive $0xFFFF;
	s2 =	simm.s32 @!p0 $0x1C01  }
0x26: {  	[timem:s3], [sflag:s2] =	dma.local @!p0 [hbm:s0], s1  }
0x27: {  	s0 =	simm.s32 @!p0 $0x1  }
0x28: {  	_ =	swait.ge @!p0 [sflag:s0], s1  }
0x29: {  	s1 =	ssub.s32 @!p0 $0x0, s1;
	[sflag:s0] =	ssyncset.done @!p0 $0x0  }
0x2a: {  	[sflag:s0] =	ssyncadd.s32 @!p0 s1  }
0x2b: {  	[bflag:$0x3] =	sbarrier.arrive $0xFFFF  }
0x2c: {  	_ =	shalt  }

</sc_bundles>
